<compile_context>
chip_gen: v7x
topology: tpu7x:2x2x1
jax: 0.10.2.dev20260603
libtpu: 0.0.44.dev20260713+nightly
codegen_flags: <defaults>
</compile_context>

<pallas_src>
import functools

import jax
import jax.numpy as jnp
from jax import lax
from jax.experimental import pallas as pl
from jax.experimental.pallas import tpu as pltpu
from jax.experimental.pallas import tpu_sc as plsc

N = 10000
E = 320000
D = 128
H = 128
G = 32
T = 5

NC = 2
NS = 16
NP = 10112
RPS = NP // NS
EC = 128
CPS = 80
EPAD = NC * NS * CPS * EC
CB = 16
NB = CPS // CB
KF = RPS // EC
KT = RPS % EC

_mesh = plsc.VectorSubcoreMesh(core_axis_name="c", subcore_axis_name="s")



@jax.jit
def _sc_hist(dstm):

    @functools.partial(
        pl.kernel,
        out_type=jax.ShapeDtypeStruct((NC, NP, 16), jnp.float32),
        mesh=_mesh,
        scratch_types=[
            pltpu.VMEM((CPS, EC), jnp.int32),
            pltpu.VMEM((EC, 16), jnp.float32),
            pltpu.VMEM_SHARED((NP, 16), jnp.float32),
        ],
    )
    def k(dst_hbm, out_hbm, idx_v, buf, acc):
        c = lax.axis_index("c")
        s = lax.axis_index("s")
        pltpu.sync_copy(dst_hbm.at[c].at[s], idx_v)

        zero16 = jnp.zeros((16,), jnp.float32)

        @pl.loop(0, EC)
        def _(i):
            buf[i, pl.ds(0, 16)] = zero16

        base = pl.multiple_of(s * RPS, 8)

        @pl.loop(0, KF)
        def _(kk):
            pltpu.sync_copy(buf, acc.at[pl.ds(base + kk * EC, EC)])

        pltpu.sync_copy(buf.at[pl.ds(0, KT)],
                        acc.at[pl.ds(base + KF * EC, KT)])

        one16 = jnp.ones((16,), jnp.float32)

        @pl.loop(0, EC)
        def _(i):
            buf[i, pl.ds(0, 16)] = one16

        plsc.subcore_barrier()

        @pl.loop(0, CPS)
        def _(j):
            pltpu.sync_copy(buf, acc.at[idx_v.at[j]], add=True)

        plsc.subcore_barrier()
        pltpu.sync_copy(acc.at[pl.ds(base, RPS)],
                        out_hbm.at[c].at[pl.ds(base, RPS)])

    return k(dstm)


@jax.jit
def _sc_scatter(u, srcm, dstm):

    @functools.partial(
        pl.kernel,
        out_type=jax.ShapeDtypeStruct((NC, NP, H), jnp.float32),
        mesh=_mesh,
        scratch_types=[
            pltpu.VMEM((CB, EC), jnp.int32),
            pltpu.VMEM((CB, EC), jnp.int32),
            pltpu.VMEM((CB, EC), jnp.int32),
            pltpu.VMEM((CB, EC), jnp.int32),
            pltpu.VMEM((EC, H), jnp.float32),
            pltpu.VMEM((EC, H), jnp.float32),
            pltpu.VMEM_SHARED((NP, H), jnp.float32),
            pltpu.SemaphoreType.DMA,
            pltpu.SemaphoreType.DMA,
            pltpu.SemaphoreType.DMA,
            pltpu.SemaphoreType.DMA,
            pltpu.SemaphoreType.DMA,
            pltpu.SemaphoreType.DMA,
        ],
    )
    def k(u_hbm, src_hbm, dst_hbm, out_hbm, is0, is1, id0, id1, buf0, buf1,
          acc, isem0, isem1, gsem0, gsem1, ssem0, ssem1):
        c = lax.axis_index("c")
        s = lax.axis_index("s")
        srcc = src_hbm.at[c].at[s]
        dstc = dst_hbm.at[c].at[s]
        iss = (is0, is1)
        ids = (id0, id1)
        isems = (isem0, isem1)

        def load_block(b):
            sl = pl.ds(b * CB, CB)
            sem = isems[b % 2]
            pltpu.async_copy(srcc.at[sl], iss[b % 2], sem)
            pltpu.async_copy(dstc.at[sl], ids[b % 2], sem)

        def wait_block(b):
            sl = pl.ds(b * CB, CB)
            sem = isems[b % 2]
            pltpu.make_async_copy(srcc.at[sl], iss[b % 2], sem).wait()
            pltpu.make_async_copy(dstc.at[sl], ids[b % 2], sem).wait()

        load_block(0)

        zero16 = jnp.zeros((16,), jnp.float32)

        @pl.loop(0, EC)
        def _(i):
            @pl.loop(0, H, step=16)
            def _(jj):
                buf0[i, pl.ds(jj, 16)] = zero16

        base = pl.multiple_of(s * RPS, 8)

        @pl.loop(0, KF)
        def _(kk):
            pltpu.sync_copy(buf0, acc.at[pl.ds(base + kk * EC, EC)])

        pltpu.sync_copy(buf0.at[pl.ds(0, KT)],
                        acc.at[pl.ds(base + KF * EC, KT)])
        plsc.subcore_barrier()

        wait_block(0)
        load_block(1)
        pltpu.async_copy(u_hbm.at[is0.at[0]], buf0, gsem0)

        bufs = (buf0, buf1)
        gsems = (gsem0, gsem1)
        ssems = (ssem0, ssem1)
        for b in range(NB):
            isb = iss[b % 2]
            idb = ids[b % 2]

            for j in range(CB):
                bj = bufs[j % 2]
                gj = gsems[j % 2]
                bn = bufs[(j + 1) % 2]
                gn = gsems[(j + 1) % 2]
                sn = ssems[(j + 1) % 2]
                if j >= 1:
                    pltpu.make_async_copy(bn, acc.at[idb.at[j - 1]],
                                          sn).wait()
                elif b >= 1:
                    pltpu.make_async_copy(bn,
                                          acc.at[ids[(b - 1) % 2].at[CB - 1]],
                                          sn).wait()
                if j + 1 < CB:
                    pltpu.async_copy(u_hbm.at[isb.at[j + 1]], bn, gn)
                elif b + 1 < NB:
                    wait_block(b + 1)
                    pltpu.async_copy(u_hbm.at[iss[(b + 1) % 2].at[0]], bn, gn)
                pltpu.make_async_copy(u_hbm.at[isb.at[j]], bj, gj).wait()
                pltpu.async_copy(bj, acc.at[idb.at[j]], ssems[j % 2],
                                 add=True)
            if b + 2 < NB:
                load_block(b + 2)

        idl = ids[(NB - 1) % 2]
        pltpu.make_async_copy(bufs[(CB - 1) % 2], acc.at[idl.at[CB - 1]],
                              ssems[(CB - 1) % 2]).wait()
        plsc.subcore_barrier()
        pltpu.sync_copy(acc.at[pl.ds(base, RPS)],
                        out_hbm.at[c].at[pl.ds(base, RPS)])

    return k(u, srcm, dstm)



def _valid_mask():
    rows = lax.broadcasted_iota(jnp.int32, (NP, H), 0)
    return rows < N


def _tc_pre(x, W1, hist):

    def body(x_ref, w_ref, hist_ref, u_ref, dinv_ref):
        xw = jnp.dot(x_ref[...], w_ref[...], preferred_element_type=jnp.float32)
        cnt = hist_ref[0, :, 0:1] + hist_ref[1, :, 0:1]
        deg = jnp.broadcast_to(cnt + 1.0, (NP, H))
        dinv = jnp.where(_valid_mask(), lax.rsqrt(deg), 0.0)
        dinv_ref[...] = dinv
        u_ref[:N, :] = xw * dinv[:N, :]
        u_ref[N:, :] = jnp.zeros((NP - N, H), jnp.float32)

    return pl.pallas_call(
        body,
        out_shape=(jax.ShapeDtypeStruct((NP, H), jnp.float32),
                   jax.ShapeDtypeStruct((NP, H), jnp.float32)),
    )(x, W1, hist)


def _bn_relu(y_ref, u_ref, dinv, b_ref, g_ref, be_ref):
    z = dinv * (y_ref[0] + y_ref[1] + u_ref[...]) + b_ref[...][None, :]
    zm = jnp.where(_valid_mask(), z, 0.0)
    s1 = jnp.sum(zm, axis=0)
    s2 = jnp.sum(zm * zm, axis=0)
    m = s1 / N
    v = s2 / N - m * m
    scale = lax.rsqrt(v + 1e-5) * g_ref[...]
    return jnp.maximum((z - m[None, :]) * scale[None, :] + be_ref[...][None, :],
                       0.0)


def _tc_mid(y, u, dinv, b, g, be, Wn):

    def body(y_ref, u_ref, dinv_ref, b_ref, g_ref, be_ref, w_ref, out_ref):
        dinv = dinv_ref[...]
        hn = _bn_relu(y_ref, u_ref, dinv, b_ref, g_ref, be_ref)
        out_ref[...] = dinv * jnp.dot(hn, w_ref[...],
                                      preferred_element_type=jnp.float32)

    return pl.pallas_call(
        body,
        out_shape=jax.ShapeDtypeStruct((NP, H), jnp.float32),
    )(y, u, dinv, b, g, be, Wn)


def _tc_post(y, u, dinv, b, g, be, batch_p, Wout, bout):
    def body(y_ref, u_ref, dinv_ref, b_ref, g_ref, be_ref, batch_ref,
             wout_ref, bout_ref, out_ref):
        hn = _bn_relu(y_ref, u_ref, dinv_ref[...], b_ref, g_ref, be_ref)
        gids = lax.broadcasted_iota(jnp.int32, (G, NP), 0)
        onehot = (batch_ref[...][None, :] == gids).astype(jnp.float32)
        cnt = jnp.sum(onehot, axis=1)
        pooled = jnp.dot(onehot, hn, preferred_element_type=jnp.float32)
        pooled = pooled / jnp.maximum(cnt, 1.0)[:, None]
        out_ref[...] = (jnp.dot(pooled, wout_ref[...],
                                preferred_element_type=jnp.float32)
                        + bout_ref[...][None, :])

    return pl.pallas_call(
        body,
        out_shape=jax.ShapeDtypeStruct((G, T), jnp.float32),
    )(y, u, dinv, b, g, be, batch_p, Wout, bout)



def kernel(x, edge_index, batch, W1, b1, g1, be1, W2, b2, g2, be2,
           W3, b3, g3, be3, Wout, bout):
    src = edge_index[0]
    dst = edge_index[1]
    padv = N + jnp.arange(EPAD - E, dtype=jnp.int32) % (NP - N)
    srcm = jnp.concatenate([src, padv]).reshape(NC, NS, CPS, EC)
    dstm = jnp.concatenate([dst, padv]).reshape(NC, NS, CPS, EC)
    batch_p = jnp.concatenate([batch, jnp.full((NP - N,), G, jnp.int32)])

    hist = _sc_hist(dstm)
    u1, dinv = _tc_pre(x, W1, hist)
    y1 = _sc_scatter(u1, srcm, dstm)
    u2 = _tc_mid(y1, u1, dinv, b1, g1, be1, W2)
    y2 = _sc_scatter(u2, srcm, dstm)
    u3 = _tc_mid(y2, u2, dinv, b2, g2, be2, W3)
    y3 = _sc_scatter(u3, srcm, dstm)
    return _tc_post(y3, u3, dinv, b3, g3, be3, batch_p, Wout, bout)

# --- scband reference (transcript-rebuilt; emitter-appended) ---
"""Pipeline reference for scband-robust-polymer-gcn-16097537425803 (READ-ONLY COPY).

The authoritative reference and input builder live on the scoring server;
editing this copy changes nothing except your own understanding.
"""

import jax, jax.numpy as jnp
import numpy as np

N = 10000
E = 320000
D = 128
H = 128
G = 32
T = 5


def setup_inputs(seed: int = 0):
    key = jax.random.key(seed)
    ks = jax.random.split(key, 12)
    inp = {}
    inp["x"] = jax.random.normal(ks[0], (N, D), dtype=jnp.float32)
    inp["edge_index"] = jax.random.randint(ks[1], (2, E), 0, N, dtype=jnp.int32)
    inp["batch"] = jnp.sort(jax.random.randint(ks[2], (N,), 0, G, dtype=jnp.int32))
    inp["W1"] = jax.random.normal(ks[3], (D, H), dtype=jnp.float32) * 0.05
    inp["b1"] = jnp.zeros((H,), jnp.float32)
    inp["g1"] = jnp.ones((H,), jnp.float32)
    inp["be1"] = jnp.zeros((H,), jnp.float32)
    inp["W2"] = jax.random.normal(ks[4], (H, H), dtype=jnp.float32) * 0.05
    inp["b2"] = jnp.zeros((H,), jnp.float32)
    inp["g2"] = jnp.ones((H,), jnp.float32)
    inp["be2"] = jnp.zeros((H,), jnp.float32)
    inp["W3"] = jax.random.normal(ks[5], (H, H), dtype=jnp.float32) * 0.05
    inp["b3"] = jnp.zeros((H,), jnp.float32)
    inp["g3"] = jnp.ones((H,), jnp.float32)
    inp["be3"] = jnp.zeros((H,), jnp.float32)
    inp["Wout"] = jax.random.normal(ks[6], (H, T), dtype=jnp.float32) * 0.05
    inp["bout"] = jnp.zeros((T,), jnp.float32)
    return inp


def _gcn_conv(x, W, b, src, dst, n):
    # GCNConv: linear transform, add self loops, symmetric normalization, scatter-add
    h = x @ W
    sl = jnp.arange(n, dtype=src.dtype)
    s = jnp.concatenate([src, sl])
    d = jnp.concatenate([dst, sl])
    deg = jax.ops.segment_sum(jnp.ones(s.shape, h.dtype), d, num_segments=n)
    dinv = jnp.where(deg > 0, deg ** -0.5, 0.0)
    norm = dinv[s] * dinv[d]
    msg = h[s] * norm[:, None]
    out = jax.ops.segment_sum(msg, d, num_segments=n)
    return out + b


def _bn(h, g, b):
    m = h.mean(axis=0)
    v = h.var(axis=0)
    return (h - m) / jnp.sqrt(v + 1e-5) * g + b


def reference(x, edge_index, batch, W1, b1, g1, be1, W2, b2, g2, be2, W3, b3, g3, be3, Wout, bout):
    src, dst = edge_index[0], edge_index[1]
    h = x
    for (W, b, g, be) in ((W1, b1, g1, be1), (W2, b2, g2, be2), (W3, b3, g3, be3)):
        h = jax.nn.relu(_bn(_gcn_conv(h, W, b, src, dst, N), g, be))
    ssum = jax.ops.segment_sum(h, batch, num_segments=G)
    cnt = jax.ops.segment_sum(jnp.ones((N,), h.dtype), batch, num_segments=G)
    pooled = ssum / jnp.maximum(cnt, 1.0)[:, None]
    return pooled @ Wout + bout

if __name__ == "__main__":
    import jax
    _d = setup_inputs()
    print(jax.jit(kernel)(*tuple(_d.values())))

</pallas_src>

<mosaic_0001>
#map = affine_map<(d0, d1) -> (0, 0, 0, 0)>
#map1 = affine_map<(d0, d1) -> (0, 0, 0)>
module attributes {stable_mosaic.version = 14 : i64} {
  func.func @k(%arg0: i32, %arg1: i32, %arg2: memref<2x16x80x128xi32, #tpu.memory_space<hbm>>, %arg3: memref<2x10112x16xf32, #tpu.memory_space<hbm>>, %arg4: memref<80x128xi32, #tpu.memory_space<vmem>>, %arg5: memref<128x16xf32, #tpu.memory_space<vmem>>, %arg6: memref<10112x16xf32, #tpu.memory_space<vmem_shared>>) attributes {dimension_semantics = [#tpu.dimension_semantics<core_parallel>, #tpu.dimension_semantics<subcore_parallel>], iteration_bounds = array<i64: 2, 16>, scalar_prefetch = 0 : i64, scratch_operands = 3 : i64, tpu.core_type = #tpu.core_type<sc_vector_subcore>, window_params = [{transform_indices = #map}, {transform_indices = #map1}]} {
    "tpu.region"() ({
      %run_scoped3A = tpu.sem_alloc : memref<!tpu.dma_semaphore, #tpu.memory_space<semaphore_mem>>
      %dma_start3A = arith.constant 0 : i32
      %dma_start3A_25 = arith.constant 0 : i32
      %dma_start3A_26 = arith.constant 0 : i32
      %dma_start3A_27 = tpu.memref_slice %arg2[%arg0, %dma_start3A, %dma_start3A_25, %dma_start3A_26] : memref<2x16x80x128xi32, #tpu.memory_space<hbm>> -> memref<1x16x80x128xi32, #tpu.memory_space<hbm>>
      %dma_start3A_28 = tpu.memref_squeeze %dma_start3A_27 : memref<1x16x80x128xi32, #tpu.memory_space<hbm>> -> memref<16x80x128xi32, #tpu.memory_space<hbm>>
      %dma_start3A_29 = arith.constant 0 : i32
      %dma_start3A_30 = arith.constant 0 : i32
      %dma_start3A_31 = tpu.memref_slice %dma_start3A_28[%arg1, %dma_start3A_29, %dma_start3A_30] : memref<16x80x128xi32, #tpu.memory_space<hbm>> -> memref<1x80x128xi32, #tpu.memory_space<hbm>>
      %dma_start3A_32 = tpu.memref_squeeze %dma_start3A_31 : memref<1x80x128xi32, #tpu.memory_space<hbm>> -> memref<80x128xi32, #tpu.memory_space<hbm>>
      %dma_start3A_33 = arith.constant 0 : i32
      %dma_start3A_34 = arith.constant 0 : i32
      %dma_start3A_35 = arith.constant 0 : i32
      %dma_start3A_36 = tpu.memref_slice %arg2[%arg0, %dma_start3A_33, %dma_start3A_34, %dma_start3A_35] : memref<2x16x80x128xi32, #tpu.memory_space<hbm>> -> memref<1x16x80x128xi32, #tpu.memory_space<hbm>>
      %dma_start3A_37 = tpu.memref_squeeze %dma_start3A_36 : memref<1x16x80x128xi32, #tpu.memory_space<hbm>> -> memref<16x80x128xi32, #tpu.memory_space<hbm>>
      %dma_start3A_38 = arith.constant 0 : i32
      %dma_start3A_39 = arith.constant 0 : i32
      %dma_start3A_40 = tpu.memref_slice %dma_start3A_37[%arg1, %dma_start3A_38, %dma_start3A_39] : memref<16x80x128xi32, #tpu.memory_space<hbm>> -> memref<1x80x128xi32, #tpu.memory_space<hbm>>
      %dma_start3A_41 = tpu.memref_squeeze %dma_start3A_40 : memref<1x80x128xi32, #tpu.memory_space<hbm>> -> memref<80x128xi32, #tpu.memory_space<hbm>>
      tpu.enqueue_dma source(%dma_start3A_41 : memref<80x128xi32, #tpu.memory_space<hbm>>) target(%arg4 : memref<80x128xi32, #tpu.memory_space<vmem>>) target_semaphore(%run_scoped3A : memref<!tpu.dma_semaphore, #tpu.memory_space<semaphore_mem>>)
      %dma_wait3A = arith.constant 0 : i32
      %dma_wait3A_42 = arith.constant 0 : i32
      %dma_wait3A_43 = arith.constant 0 : i32
      %dma_wait3A_44 = tpu.memref_slice %arg2[%arg0, %dma_wait3A, %dma_wait3A_42, %dma_wait3A_43] : memref<2x16x80x128xi32, #tpu.memory_space<hbm>> -> memref<1x16x80x128xi32, #tpu.memory_space<hbm>>
      %dma_wait3A_45 = tpu.memref_squeeze %dma_wait3A_44 : memref<1x16x80x128xi32, #tpu.memory_space<hbm>> -> memref<16x80x128xi32, #tpu.memory_space<hbm>>
      %dma_wait3A_46 = arith.constant 0 : i32
      %dma_wait3A_47 = arith.constant 0 : i32
      %dma_wait3A_48 = tpu.memref_slice %dma_wait3A_45[%arg1, %dma_wait3A_46, %dma_wait3A_47] : memref<16x80x128xi32, #tpu.memory_space<hbm>> -> memref<1x80x128xi32, #tpu.memory_space<hbm>>
      %dma_wait3A_49 = tpu.memref_squeeze %dma_wait3A_48 : memref<1x80x128xi32, #tpu.memory_space<hbm>> -> memref<80x128xi32, #tpu.memory_space<hbm>>
      %dma_wait3A_50 = arith.constant 0 : i32
      %dma_wait3A_51 = arith.constant 0 : i32
      %dma_wait3A_52 = arith.constant 0 : i32
      %dma_wait3A_53 = tpu.memref_slice %arg2[%arg0, %dma_wait3A_50, %dma_wait3A_51, %dma_wait3A_52] : memref<2x16x80x128xi32, #tpu.memory_space<hbm>> -> memref<1x16x80x128xi32, #tpu.memory_space<hbm>>
      %dma_wait3A_54 = tpu.memref_squeeze %dma_wait3A_53 : memref<1x16x80x128xi32, #tpu.memory_space<hbm>> -> memref<16x80x128xi32, #tpu.memory_space<hbm>>
      %dma_wait3A_55 = arith.constant 0 : i32
      %dma_wait3A_56 = arith.constant 0 : i32
      %dma_wait3A_57 = tpu.memref_slice %dma_wait3A_54[%arg1, %dma_wait3A_55, %dma_wait3A_56] : memref<16x80x128xi32, #tpu.memory_space<hbm>> -> memref<1x80x128xi32, #tpu.memory_space<hbm>>
      %dma_wait3A_58 = tpu.memref_squeeze %dma_wait3A_57 : memref<1x80x128xi32, #tpu.memory_space<hbm>> -> memref<80x128xi32, #tpu.memory_space<hbm>>
      tpu.wait_dma2 semaphore(%run_scoped3A : memref<!tpu.dma_semaphore, #tpu.memory_space<semaphore_mem>>) src(%dma_wait3A_58 : memref<80x128xi32, #tpu.memory_space<hbm>>) dst(%arg4 : memref<80x128xi32, #tpu.memory_space<vmem>>)
      tpu.yield
    }) : () -> ()
    %broadcast_in_dim3A = arith.constant 0.000000e+00 : f32
    %broadcast_in_dim3A_0 = vector.broadcast %broadcast_in_dim3A : f32 to vector<16xf32>
    %scan3A = arith.constant 0 : i32
    %scan3A_1 = arith.constant 128 : i32
    %scan3A_2 = arith.addi %scan3A, %scan3A_1 : i32
    %scan3A_3 = arith.constant 1 : i32
    scf.for %scan3A_25 = %scan3A to %scan3A_2 step %scan3A_3  : i32 {
      %mul3A_26 = arith.constant 1 : i32
      %mul3A_27 = arith.muli %scan3A_25, %mul3A_26 : i32
      %add3A_28 = arith.constant 0 : i32
      %add3A_29 = arith.addi %add3A_28, %mul3A_27 : i32
      %swap3A = arith.index_cast %add3A_29 : i32 to index
      %swap3A_30 = arith.constant 0 : index
      %swap3A_31 = tpu.vector_load %arg5[%swap3A, %swap3A_30] {strides = array<i32>} : memref<128x16xf32, #tpu.memory_space<vmem>>, vector<1x16xf32>,
      %swap3A_32 = vector.shape_cast %swap3A_31 : vector<1x16xf32> to vector<16xf32>
      %swap3A_33 = vector.shape_cast %broadcast_in_dim3A_0 : vector<16xf32> to vector<1x16xf32>
      tpu.vector_store %arg5[%swap3A, %swap3A_30], %swap3A_33 {strides = array<i32>} : memref<128x16xf32, #tpu.memory_space<vmem>>, vector<1x16xf32>,
    }
    %scan3A_4 = arith.constant 128 : i32
    %mul3A = arith.constant 632 : i32
    %mul3A_5 = arith.muli %arg1, %mul3A : i32
    %multiple_of3A = tpu.assume_multiple %mul3A_5, 8 : i32
    %scan3A_6 = arith.constant 0 : i32
    %scan3A_7 = arith.constant 4 : i32
    %scan3A_8 = arith.addi %scan3A_6, %scan3A_7 : i32
    %scan3A_9 = arith.constant 1 : i32
    scf.for %scan3A_25 = %scan3A_6 to %scan3A_8 step %scan3A_9  : i32 {
      %mul3A_26 = arith.constant 1 : i32
      %mul3A_27 = arith.muli %scan3A_25, %mul3A_26 : i32
      %add3A_28 = arith.constant 0 : i32
      %add3A_29 = arith.addi %add3A_28, %mul3A_27 : i32
      %mul3A_30 = arith.constant 128 : i32
      %mul3A_31 = arith.muli %add3A_29, %mul3A_30 : i32
      %add3A_32 = arith.addi %multiple_of3A, %mul3A_31 : i32
      "tpu.region"() ({
        %run_scoped3A = tpu.sem_alloc : memref<!tpu.dma_semaphore, #tpu.memory_space<semaphore_mem>>
        %dma_start3A = arith.constant 0 : i32
        %dma_start3A_33 = tpu.memref_slice %arg6[%add3A_32, %dma_start3A] : memref<10112x16xf32, #tpu.memory_space<vmem_shared>> -> memref<128x16xf32, #tpu.memory_space<vmem_shared>>
        %dma_start3A_34 = arith.constant 0 : i32
        %dma_start3A_35 = tpu.memref_slice %arg6[%add3A_32, %dma_start3A_34] : memref<10112x16xf32, #tpu.memory_space<vmem_shared>> -> memref<128x16xf32, #tpu.memory_space<vmem_shared>>
        tpu.enqueue_dma source(%arg5 : memref<128x16xf32, #tpu.memory_space<vmem>>) target(%dma_start3A_35 : memref<128x16xf32, #tpu.memory_space<vmem_shared>>) target_semaphore(%run_scoped3A : memref<!tpu.dma_semaphore, #tpu.memory_space<semaphore_mem>>)
        %dma_wait3A = arith.constant 0 : i32
        %dma_wait3A_36 = tpu.memref_slice %arg6[%add3A_32, %dma_wait3A] : memref<10112x16xf32, #tpu.memory_space<vmem_shared>> -> memref<128x16xf32, #tpu.memory_space<vmem_shared>>
        %dma_wait3A_37 = arith.constant 0 : i32
        %dma_wait3A_38 = tpu.memref_slice %arg6[%add3A_32, %dma_wait3A_37] : memref<10112x16xf32, #tpu.memory_space<vmem_shared>> -> memref<128x16xf32, #tpu.memory_space<vmem_shared>>
        tpu.wait_dma2 semaphore(%run_scoped3A : memref<!tpu.dma_semaphore, #tpu.memory_space<semaphore_mem>>) src(%arg5 : memref<128x16xf32, #tpu.memory_space<vmem>>) dst(%dma_wait3A_38 : memref<128x16xf32, #tpu.memory_space<vmem_shared>>)
        tpu.yield
      }) : () -> ()
    }
    %scan3A_10 = arith.constant 4 : i32
    %add3A = arith.constant 512 : i32
    %add3A_11 = arith.addi %multiple_of3A, %add3A : i32
    "tpu.region"() ({
      %run_scoped3A = tpu.sem_alloc : memref<!tpu.dma_semaphore, #tpu.memory_space<semaphore_mem>>
      %dma_start3A = arith.constant 0 : i32
      %dma_start3A_25 = arith.constant 0 : i32
      %dma_start3A_26 = tpu.memref_slice %arg5[%dma_start3A, %dma_start3A_25] : memref<128x16xf32, #tpu.memory_space<vmem>> -> memref<120x16xf32, #tpu.memory_space<vmem>>
      %dma_start3A_27 = arith.constant 0 : i32
      %dma_start3A_28 = tpu.memref_slice %arg6[%add3A_11, %dma_start3A_27] : memref<10112x16xf32, #tpu.memory_space<vmem_shared>> -> memref<120x16xf32, #tpu.memory_space<vmem_shared>>
      %dma_start3A_29 = arith.constant 0 : i32
      %dma_start3A_30 = tpu.memref_slice %arg6[%add3A_11, %dma_start3A_29] : memref<10112x16xf32, #tpu.memory_space<vmem_shared>> -> memref<120x16xf32, #tpu.memory_space<vmem_shared>>
      %dma_start3A_31 = arith.constant 0 : i32
      %dma_start3A_32 = arith.constant 0 : i32
      %dma_start3A_33 = tpu.memref_slice %arg5[%dma_start3A_31, %dma_start3A_32] : memref<128x16xf32, #tpu.memory_space<vmem>> -> memref<120x16xf32, #tpu.memory_space<vmem>>
      tpu.enqueue_dma source(%dma_start3A_33 : memref<120x16xf32, #tpu.memory_space<vmem>>) target(%dma_start3A_30 : memref<120x16xf32, #tpu.memory_space<vmem_shared>>) target_semaphore(%run_scoped3A : memref<!tpu.dma_semaphore, #tpu.memory_space<semaphore_mem>>)
      %dma_wait3A = arith.constant 0 : i32
      %dma_wait3A_34 = arith.constant 0 : i32
      %dma_wait3A_35 = tpu.memref_slice %arg5[%dma_wait3A, %dma_wait3A_34] : memref<128x16xf32, #tpu.memory_space<vmem>> -> memref<120x16xf32, #tpu.memory_space<vmem>>
      %dma_wait3A_36 = arith.constant 0 : i32
      %dma_wait3A_37 = tpu.memref_slice %arg6[%add3A_11, %dma_wait3A_36] : memref<10112x16xf32, #tpu.memory_space<vmem_shared>> -> memref<120x16xf32, #tpu.memory_space<vmem_shared>>
      %dma_wait3A_38 = arith.constant 0 : i32
      %dma_wait3A_39 = tpu.memref_slice %arg6[%add3A_11, %dma_wait3A_38] : memref<10112x16xf32, #tpu.memory_space<vmem_shared>> -> memref<120x16xf32, #tpu.memory_space<vmem_shared>>
      %dma_wait3A_40 = arith.constant 0 : i32
      %dma_wait3A_41 = arith.constant 0 : i32
      %dma_wait3A_42 = tpu.memref_slice %arg5[%dma_wait3A_40, %dma_wait3A_41] : memref<128x16xf32, #tpu.memory_space<vmem>> -> memref<120x16xf32, #tpu.memory_space<vmem>>
      tpu.wait_dma2 semaphore(%run_scoped3A : memref<!tpu.dma_semaphore, #tpu.memory_space<semaphore_mem>>) src(%dma_wait3A_42 : memref<120x16xf32, #tpu.memory_space<vmem>>) dst(%dma_wait3A_39 : memref<120x16xf32, #tpu.memory_space<vmem_shared>>)
      tpu.yield
    }) : () -> ()
    %broadcast_in_dim3A_12 = arith.constant 1.000000e+00 : f32
    %broadcast_in_dim3A_13 = vector.broadcast %broadcast_in_dim3A_12 : f32 to vector<16xf32>
    %scan3A_14 = arith.constant 0 : i32
    %scan3A_15 = arith.constant 128 : i32
    %scan3A_16 = arith.addi %scan3A_14, %scan3A_15 : i32
    %scan3A_17 = arith.constant 1 : i32
    scf.for %scan3A_25 = %scan3A_14 to %scan3A_16 step %scan3A_17  : i32 {
      %mul3A_26 = arith.constant 1 : i32
      %mul3A_27 = arith.muli %scan3A_25, %mul3A_26 : i32
      %add3A_28 = arith.constant 0 : i32
      %add3A_29 = arith.addi %add3A_28, %mul3A_27 : i32
      %swap3A = arith.index_cast %add3A_29 : i32 to index
      %swap3A_30 = arith.constant 0 : index
      %swap3A_31 = tpu.vector_load %arg5[%swap3A, %swap3A_30] {strides = array<i32>} : memref<128x16xf32, #tpu.memory_space<vmem>>, vector<1x16xf32>,
      %swap3A_32 = vector.shape_cast %swap3A_31 : vector<1x16xf32> to vector<16xf32>
      %swap3A_33 = vector.shape_cast %broadcast_in_dim3A_13 : vector<16xf32> to vector<1x16xf32>
      tpu.vector_store %arg5[%swap3A, %swap3A_30], %swap3A_33 {strides = array<i32>} : memref<128x16xf32, #tpu.memory_space<vmem>>, vector<1x16xf32>,
    }
    %scan3A_18 = arith.constant 128 : i32
    %barrier3A = arith.constant 0 : index
    tpu.barrier barrier_id(%barrier3A)
    %scan3A_19 = arith.constant 0 : i32
    %scan3A_20 = arith.constant 80 : i32
    %scan3A_21 = arith.addi %scan3A_19, %scan3A_20 : i32
    %scan3A_22 = arith.constant 1 : i32
    scf.for %scan3A_25 = %scan3A_19 to %scan3A_21 step %scan3A_22  : i32 {
      %mul3A_26 = arith.constant 1 : i32
      %mul3A_27 = arith.muli %scan3A_25, %mul3A_26 : i32
      %add3A_28 = arith.constant 0 : i32
      %add3A_29 = arith.addi %add3A_28, %mul3A_27 : i32
      "tpu.region"() ({
        %run_scoped3A = tpu.sem_alloc : memref<!tpu.dma_semaphore, #tpu.memory_space<semaphore_mem>>
        %dma_start3A = arith.constant 0 : i32
        %dma_start3A_30 = tpu.memref_slice %arg4[%add3A_29, %dma_start3A] : memref<80x128xi32, #tpu.memory_space<vmem>> -> memref<1x128xi32, #tpu.memory_space<vmem>>
        %dma_start3A_31 = tpu.memref_squeeze %dma_start3A_30 : memref<1x128xi32, #tpu.memory_space<vmem>> -> memref<128xi32, #tpu.memory_space<vmem>>
        %dma_start3A_32 = arith.constant 0 : i32
        %dma_start3A_33 = arith.constant 0 : i32
        %dma_start3A_34 = tpu.memref_slice %arg6[%dma_start3A_32, %dma_start3A_33] : memref<10112x16xf32, #tpu.memory_space<vmem_shared>> -> memref<10112x16xf32, #tpu.memory_space<vmem_shared>>
        tpu.enqueue_indirect_dma source(%arg5 : memref<128x16xf32, #tpu.memory_space<vmem>>) target(%dma_start3A_34 : memref<10112x16xf32, #tpu.memory_space<vmem_shared>>) offsets(%dma_start3A_31 : memref<128xi32, #tpu.memory_space<vmem>>) semaphore(%run_scoped3A : memref<!tpu.dma_semaphore, #tpu.memory_space<semaphore_mem>>) {add = true}
        %dma_wait3A = arith.constant 0 : i32
        %dma_wait3A_35 = tpu.memref_slice %arg4[%add3A_29, %dma_wait3A] : memref<80x128xi32, #tpu.memory_space<vmem>> -> memref<1x128xi32, #tpu.memory_space<vmem>>
        %dma_wait3A_36 = tpu.memref_squeeze %dma_wait3A_35 : memref<1x128xi32, #tpu.memory_space<vmem>> -> memref<128xi32, #tpu.memory_space<vmem>>
        %dma_wait3A_37 = arith.constant 0 : i32
        %dma_wait3A_38 = arith.constant 0 : i32
        %dma_wait3A_39 = tpu.memref_slice %arg6[%dma_wait3A_37, %dma_wait3A_38] : memref<10112x16xf32, #tpu.memory_space<vmem_shared>> -> memref<10112x16xf32, #tpu.memory_space<vmem_shared>>
        tpu.wait_indirect_dma semaphore(%run_scoped3A : memref<!tpu.dma_semaphore, #tpu.memory_space<semaphore_mem>>) src(%arg5 : memref<128x16xf32, #tpu.memory_space<vmem>>) dst(%dma_wait3A_39 : memref<10112x16xf32, #tpu.memory_space<vmem_shared>>)
        tpu.yield
      }) : () -> ()
    }
    %scan3A_23 = arith.constant 80 : i32
    %barrier3A_24 = arith.constant 0 : index
    tpu.barrier barrier_id(%barrier3A_24)
    "tpu.region"() ({
      %run_scoped3A = tpu.sem_alloc : memref<!tpu.dma_semaphore, #tpu.memory_space<semaphore_mem>>
      %dma_start3A = arith.constant 0 : i32
      %dma_start3A_25 = arith.constant 0 : i32
      %dma_start3A_26 = tpu.memref_slice %arg3[%arg0, %dma_start3A, %dma_start3A_25] : memref<2x10112x16xf32, #tpu.memory_space<hbm>> -> memref<1x10112x16xf32, #tpu.memory_space<hbm>>
      %dma_start3A_27 = tpu.memref_squeeze %dma_start3A_26 : memref<1x10112x16xf32, #tpu.memory_space<hbm>> -> memref<10112x16xf32, #tpu.memory_space<hbm>>
      %dma_start3A_28 = arith.constant 0 : i32
      %dma_start3A_29 = tpu.memref_slice %dma_start3A_27[%multiple_of3A, %dma_start3A_28] : memref<10112x16xf32, #tpu.memory_space<hbm>> -> memref<632x16xf32, #tpu.memory_space<hbm>>
      %dma_start3A_30 = arith.constant 0 : i32
      %dma_start3A_31 = tpu.memref_slice %arg6[%multiple_of3A, %dma_start3A_30] : memref<10112x16xf32, #tpu.memory_space<vmem_shared>> -> memref<632x16xf32, #tpu.memory_space<vmem_shared>>
      tpu.enqueue_dma source(%dma_start3A_31 : memref<632x16xf32, #tpu.memory_space<vmem_shared>>) target(%dma_start3A_29 : memref<632x16xf32, #tpu.memory_space<hbm>>) target_semaphore(%run_scoped3A : memref<!tpu.dma_semaphore, #tpu.memory_space<semaphore_mem>>)
      %dma_wait3A = arith.constant 0 : i32
      %dma_wait3A_32 = arith.constant 0 : i32
      %dma_wait3A_33 = tpu.memref_slice %arg3[%arg0, %dma_wait3A, %dma_wait3A_32] : memref<2x10112x16xf32, #tpu.memory_space<hbm>> -> memref<1x10112x16xf32, #tpu.memory_space<hbm>>
      %dma_wait3A_34 = tpu.memref_squeeze %dma_wait3A_33 : memref<1x10112x16xf32, #tpu.memory_space<hbm>> -> memref<10112x16xf32, #tpu.memory_space<hbm>>
      %dma_wait3A_35 = arith.constant 0 : i32
      %dma_wait3A_36 = tpu.memref_slice %dma_wait3A_34[%multiple_of3A, %dma_wait3A_35] : memref<10112x16xf32, #tpu.memory_space<hbm>> -> memref<632x16xf32, #tpu.memory_space<hbm>>
      %dma_wait3A_37 = arith.constant 0 : i32
      %dma_wait3A_38 = tpu.memref_slice %arg6[%multiple_of3A, %dma_wait3A_37] : memref<10112x16xf32, #tpu.memory_space<vmem_shared>> -> memref<632x16xf32, #tpu.memory_space<vmem_shared>>
      tpu.wait_dma2 semaphore(%run_scoped3A : memref<!tpu.dma_semaphore, #tpu.memory_space<semaphore_mem>>) src(%dma_wait3A_38 : memref<632x16xf32, #tpu.memory_space<vmem_shared>>) dst(%dma_wait3A_36 : memref<632x16xf32, #tpu.memory_space<hbm>>)
      tpu.yield
    }) : () -> ()
    return
  }
}

</mosaic_0001>

<sc_bundles>
// kernel: _sc_hist.3.cloned.1.call-start
scs
__scs_entry_jumppad:
0x0: {  	(pc) =	sbr.rel $0x88, $3  }
0x1: {  	(tag) =	ssettag $0x0;
	lr =	simm.s32 $0x1  }
0x2: {  	[smem:$0x3FA0] =	sst lr;
	_ =	strace $0xD0000000  }
0x3: {  	_ = 	snop  }
0x4: {  	_ = 	snop  }
0x5: {  	_ = 	snop  }
0x6: {  	_ = 	snop  }
0x7: {  	_ = 	snop  }
__scs_overlays_trampoline_lowered:
0x8: {  	[smem:$0x3FAF] =	sst s0  }
0x9: {  	[smem:$0x3FB0] =	sst s1  }
0xa: {  	[smem:$0x3FB1] =	sst s2  }
0xb: {  	[smem:$0x3FB2] =	sst s3  }
0xc: {  	[smem:$0x3FB3] =	sst s4  }
0xd: {  	[smem:$0x3FB4] =	sst s5  }
0xe: {  	[smem:$0x3FB5] =	sst s6  }
0xf: {  	[smem:$0x3FB6] =	sst s7  }
0x10: {  	[smem:$0x3FB7] =	sst s8  }
0x11: {  	[smem:$0x3FB8] =	sst s9;
	s0 =	simm.s32 @!p0 $0x0  }
0x12: {  	s1 =	sld [smem:$0x3F9E];
	s0 =	simm.s32 @p0 $0x1  }
0x13: {  	[smem:$0x3FB9] =	sst s0;
	s0 =	simm.s32 @!p1 $0x0  }
0x14: {  	s2 =	sld [smem:$0x3F9D];
	s0 =	simm.s32 @p1 $0x1  }
0x15: {  	[smem:$0x3FBA] =	sst s0;
	s0 =	simm.s32 @!p2 $0x0  }
0x16: {  	s3 =	sld [smem:$0x3FDB];
	s0 =	simm.s32 @p2 $0x1  }
0x17: {  	s4 =	simm.s32 $0x1BF5;
	[smem:$0x3FBC] =	sst s0  }
0x18: {  	s0 =	sld [smem:$0x3F9F];
	_ =	swait.ge [sflag:s4], $0x0  }
0x19: {  	s7 =	sld [smem:$0x3FA0]  }
0x1a: {  	s8 =	sadd.s32 $0xFFFFE003, lr  }
0x1b: {  	s9 =	sadd.s32 $0xFFFFFEF7, lr;
	s5 =	simm.s32 $0xFFFFFFFF;
	p2 =	slt.u32 s8, $0xFFFFF086  }
0x1c: {  	p1 =	slt.u32 s9, $0xF7A;
	s5 =	simm.s32 @!p2 $0x0  }
0x1d: {  	s5 =	simm.s32 @p1 $0x1;
	p0 =	seq.s32 s7, s2  }
0x1e: {  	s7 =	smul.u32 @!p0 $0xF7A, s2;
	p2 =	seq.s32 @!p0 s5, $0x0  }
0x1f: {  	s9 =	smul.u32 $0xF7A, s1;
	s8 =	simm.s32 @!p0 $0x1BF5;
	p2 =	por !p2, p0  }
0x20: {  	[sflag:s8] =	ssyncset.s32 @!p0 $0xFFFFF086;
	s6 =	sadd.s32 @!p0 s3, s7;
	s7 =	simm.s32 @!p0 $0x108  }
0x21: {  	s3 =	sadd.s32 s3, s9;
	s6 =	sadd.s32 @!p0 $0x88, s6;
	s7 =	simm.s32 @p2 $0x1082  }
0x22: {  	[simem:s7], [sflag:s8] =	dma.local @!p0 [hbm:s6], $0xF7A  }
0x23: {  	s9 =	sor.u32 $0xD0000000, s2;
	s6 =	simm.s32 $0x108;
	_ =	swait.ge @!p0 [sflag:s8], $0x0  }
0x24: {  	s3 =	sadd.s32 $0x88, s3;
	s6 =	simm.s32 @!p1 $0x1082;
	[sflag:s4] =	ssyncset.s32 $0xFFFFF086  }
0x25: {  	[simem:s6], [sflag:s4] =	dma.local [hbm:s3], $0xF7A  }
0x26: {  	[smem:$0x3FA0] =	sst s1;
	(tag) =	ssettag s2;
	_ =	strace s9  }
0x27: {  	s1 =	sld [smem:$0x3FB0]  }
0x28: {  	s2 =	sld [smem:$0x3FB1]  }
0x29: {  	s4 =	sld [smem:$0x3FB3]  }
0x2a: {  	p0 =	seq.s32 s5, $0x0;
	s5 =	sld [smem:$0x3FB4]  }
0x2b: {  	s6 =	sld [smem:$0x3FB5]  }
0x2c: {  	s7 =	sld [smem:$0x3FB6]  }
0x2d: {  	s3 =	simm.s32 $0x108;
	s8 =	sld [smem:$0x3FB7]  }
0x2e: {  	s3 =	simm.s32 @!p0 $0x1082;
	s9 =	sld [smem:$0x3FB8]  }
0x2f: {  	lr =	sadd.s32 s0, s3;
	s0 =	sld [smem:$0x3FAF]  }
0x30: {  	s3 =	sld [smem:$0x3FB2]  }
0x31: {  	[smem:$0x3FBB] =	sst s10  }
0x32: {  	s10 =	sld [smem:$0x3FB9];
	_ =	sdelay $0x3  }
0x33: {  	p0 =	seq.s32 s10, $0x1;
	s10 =	sld [smem:$0x3FBB];
	_ =	sdelay $0x3  }
0x34: {  	[smem:$0x3FBB] =	sst s10  }
0x35: {  	s10 =	sld [smem:$0x3FBA];
	_ =	sdelay $0x3  }
0x36: {  	p1 =	seq.s32 s10, $0x1;
	s10 =	sld [smem:$0x3FBB];
	_ =	sdelay $0x3  }
0x37: {  	[smem:$0x3FBB] =	sst s10  }
0x38: {  	s10 =	sld [smem:$0x3FBC]  }
0x39: {  	_ = 	snop;
	(pc) =	sbr.ind lr, $3  }
0x3a: {  	_ = 	snop  }
0x3b: {  	_ = 	snop  }
0x3c: {  	p2 =	seq.s32 s10, $0x1;
	s10 =	sld [smem:$0x3FBB]  }
0x3d: {  	_ =	shalt  }
0x3e: {  	_ =	shalt  }
0x3f: {  	_ =	shalt  }
0x40: {  	_ =	shalt  }
0x41: {  	_ =	shalt  }
0x42: {  	_ =	shalt  }
0x43: {  	_ =	shalt  }
0x44: {  	_ =	shalt  }
0x45: {  	_ =	shalt  }
0x46: {  	_ =	shalt  }
0x47: {  	_ =	shalt  }
0x48: {  	_ =	shalt  }
0x49: {  	_ =	shalt  }
0x4a: {  	_ =	shalt  }
0x4b: {  	_ =	shalt  }
0x4c: {  	_ =	shalt  }
0x4d: {  	_ =	shalt  }
0x4e: {  	_ =	shalt  }
0x4f: {  	_ =	shalt  }
0x50: {  	_ =	shalt  }
0x51: {  	_ =	shalt  }
0x52: {  	_ =	shalt  }
0x53: {  	_ =	shalt  }
0x54: {  	_ =	shalt  }
0x55: {  	_ =	shalt  }
0x56: {  	_ =	shalt  }
0x57: {  	_ =	shalt  }
0x58: {  	_ =	shalt  }
0x59: {  	_ =	shalt  }
0x5a: {  	_ =	shalt  }
0x5b: {  	_ =	shalt  }
0x5c: {  	_ =	shalt  }
0x5d: {  	_ =	shalt  }
0x5e: {  	_ =	shalt  }
0x5f: {  	_ =	shalt  }
0x60: {  	_ =	shalt  }
0x61: {  	_ =	shalt  }
0x62: {  	_ =	shalt  }
0x63: {  	_ =	shalt  }
0x64: {  	_ =	shalt  }
0x65: {  	_ =	shalt  }
0x66: {  	_ =	shalt  }
0x67: {  	_ =	shalt  }
0x68: {  	_ =	shalt  }
0x69: {  	_ =	shalt  }
0x6a: {  	_ =	shalt  }
0x6b: {  	_ =	shalt  }
0x6c: {  	_ =	shalt  }
0x6d: {  	_ =	shalt  }
0x6e: {  	_ =	shalt  }
0x6f: {  	_ =	shalt  }
0x70: {  	_ =	shalt  }
0x71: {  	_ =	shalt  }
0x72: {  	_ =	shalt  }
0x73: {  	_ =	shalt  }
0x74: {  	_ =	shalt  }
0x75: {  	_ =	shalt  }
0x76: {  	_ =	shalt  }
0x77: {  	_ =	shalt  }
0x78: {  	_ =	shalt  }
0x79: {  	_ =	shalt  }
0x7a: {  	_ =	shalt  }
0x7b: {  	_ =	shalt  }
0x7c: {  	_ =	shalt  }
0x7d: {  	_ =	shalt  }
0x7e: {  	_ =	shalt  }
0x7f: {  	_ =	shalt  }
0x80: {  	_ =	shalt  }
0x81: {  	_ =	shalt  }
0x82: {  	_ =	shalt  }
0x83: {  	_ =	shalt  }
0x84: {  	_ =	shalt  }
0x85: {  	_ =	shalt  }
0x86: {  	_ =	shalt  }
0x87: {  	_ =	shalt  }
.Lfunc_end0:
.L_simem_size_0:
called_computation_lowered:
.L_overlay_start_0:
0x88: {  	s2 =	sld [smem:$0x3FD9]  }
0x89: {  	s3 =	sld [smem:$0x3FFE];
	_ =	sdelay $0x1  }
0x8a: {  	s1 =	srdreg.scid  }
0x8b: {  	s0 =	sand.u32 $0x1, s1  }
0x8c: {  	s17 =	sshll.u32 s0, $0xA;
	s2 =	sadd.s32 s3, s2  }
0x8d: {  	s2 =	sadd.s32 s2, s17  }
0x8e: {  	[smem:$0x3FC7] =	sst s2  }
0x8f: {  	_ = 	snop  }
0x90: {  	s2 =	sld [smem:$0x3FC9];
	(tm) =	ssettm $0x1  }
0x91: {  	s18 =	sld [smem:$0x3FFB];
	_ =	sdelay $0x3  }
0x92: {  	_ =	strace s18  }
0x93: {  	s3 =	sld [smem:$0x3FFC];
	_ =	sdelay $0x3  }
0x94: {  	_ =	strace s3  }
0x95: {  	s3 =	sld [smem:$0x3FFD];
	_ =	sdelay $0x3  }
0x96: {  	_ =	strace s3  }
0x97: {  	_ =	strace $0x8FFFFFFF  }
0x98: {  	s19 =	sld [smem:$0x3FDB];
	_ =	sdelay $0x1  }
0x99: {  	s4 =	simm.s32 $_scs_section_size  }
0x9a: {  	s5 =	simm.s32 $_size__tile_overlayer_lowered;
	s6 =	simm.s32 $_tile_overlayer_lowered  }
0x9b: {  	s22 =	simm.s32 $0x1BFF;
	s21 =	sshll.u32 s6, $0x1;
	s3 =	sadd.s32 s4, s19  }
0x9c: {  	s7 =	simm.s32 $0x0;
	s20 =	sshll.u32 s5, $0x1;
	s5 =	sadd.s32 s21, s3  }
0x9d: {  	[timem:s7], [sflag:s22] =	dma.local [hbm:s5], s20  }
0x9e: {  	_ =	swait.ge [sflag:s22], s20  }
0x9f: {  	s4 =	ssub.s32 $0x0, s20;
	[sflag:s22] =	ssyncset.done $0x0  }
0xa0: {  	[sflag:s22] =	ssyncadd.s32 s4;
	_ =	sdelay $0x1  }
0xa1: {  	s23 =	simm.s32 $0x1B8B  }
0xa2: {  	_ =	swait.ge [sflag:s23], $0x1  }
0xa3: {  	[sflag:s23] =	ssyncset.done $0x0  }
0xa4: {  	s25 =	simm.s32 $0x1B8E;
	s24 =	sld [smem:$0x3FFE];
	[sflag:s23] =	ssyncadd.s32 $0xFFFFFFFF  }
0xa5: {  	s26 =	simm.s32 $execute0_lowered;
	[smem:$0x3FD2] =	sst s25  }
0xa6: {  	s5 =	sshll.u32 s26, $0x1;
	_ =	strace $0x80000046;
	[dreg:$0x1] =	wrdreg $0xFFFFFFFF  }
0xa7: {  	s28 =	simm.s32 $_size_execute0_lowered;
	s3 =	sadd.s32 s3, s5;
	[dreg:$0x0] =	wrdreg $0x0  }
0xa8: {  	s5 =	sshll.u32 s28, $0x1;
	[dreg:$0x2] =	wrdreg s3  }
0xa9: {  	[dreg:$0x3] =	wrdreg s5  }
0xaa: {  	[dreg:$0x4] =	wrdreg $0xC0  }
0xab: {  	_ =	task [dreg:s7], $0x5FFFF  }
0xac: {  	[dreg:$0x1] =	wrdreg $0xFFFFFFFF  }
0xad: {  	[dreg:$0x0] =	wrdreg $0x60  }
0xae: {  	[dreg:$0x2] =	wrdreg s2  }
0xaf: {  	[dreg:$0x3] =	wrdreg s24  }
0xb0: {  	[dreg:$0x4] =	wrdreg $0x68000  }
0xb1: {  	[dreg:$0x5] =	wrdreg $0x9  }
0xb2: {  	_ =	task.clear_ibuf [dreg:s7], $0x6FFFF;
	_ =	strace $0x90000046  }
0xb3: {  	s29 =	simm.s32 $0x9;
	_ =	strace $0x80000048  }
0xb4: {  	_ =	swait.ge [sflag:s29], $0x1  }
0xb5: {  	[sflag:s29] =	ssyncadd.s32 $0xFFFFFFFF  }
0xb6: {  	_ =	strace $0x90000048  }
0xb7: {  	_ =	sfence  }
0xb8: {  	s30 =	sld [smem:$0x0];
	_ =	sdelay $0x2  }
0xb9: {  	s31 =	sshll.u32 s1, $0xD;
	s1 =	sshrl.u32 s1, $0x2  }
0xba: {  	s3 =	sand.u32 $0x4000, s31;
	s1 =	sadd.s32 s1, s30  }
0xbb: {  	s0 =	sor.u32 s3, s0;
	s1 =	sshll.u32 s1, $0x11  }
0xbc: {  	s0 =	sor.u32 s1, s0  }
0xbd: {  	s0 =	sadd.s32 $0x8F2B, s0  }
0xbe: {  	[sflag:s0] =	ssyncadd.remote.s32 $0x1  }
0xbf: {  	_ =	sfence.sel $0xFFFF  }
0xc0: {  	[dreg:$0x0] =	wrdreg $0xFFFFFFFF;
	(pc) =	sbr.abs _section_cstart, $3  }
0xc1: {  	[dreg:$0x1] =	wrdreg $0xFFFFFFFF  }
0xc2: {  	_ =	task.clear_ibuf [dreg:s7], $0x2FFFF;
	_ =	strace $0x9FFFFFFF  }
0xc3: {  	(tm) =	ssettm $0x7FFFFFFF  }
tec
execute0_lowered:
.L_overlay_start_1:
0x0: {  	(tag) =	ssettag $0x1  }
0x1: {  	s4 =	rddreg [dreg:$0x0]  }
0x2: {  	s5 =	rddreg [dreg:$0x1]  }
0x3: {  	s1 =	rddreg [dreg:$0x2];
	s2 =	srdreg.scid  }
0x4: {  	s0 =	rddreg [dreg:$0x3];
	s3 =	simm.s32 $0x0;
	s6 =	sand.u32 $0x1, s2  }
0x5: {  	s11 =	simm.s32 $0x1;
	s12 =	simm.s32 $0x2800;
	s7 =	smul.u32 $0x27800, s6  }
0x6: {  	s13 =	simm.s32 $0x80;
	s2 =	stileid.u32;
	s8 =	smul.u32 $0x5000, s6  }
0x7: {  	s17 =	simm.s32 $0x0;
	[smem:$0x7FF] =	sst s3;
	s9 =	smul.u32 $0x4F000, s2  }
0x8: {  	_ =	strace $0x80000047;
	s26 =	ssub.s32 $0x2, s6;
	s28 =	smul.u32 $0x500, s2  }
0x9: {  	s15 =	smul.u32 $0x2780, s2;
	s31 =	sshll.u32 s2, $0x6;
	s10 =	sshrl.u32 s26, $0x1  }
0xa: {  	s7 =	sadd.s32 s7, s5;
	s4 =	sadd.s32 s4, s8;
	s29 =	sshrl.u32 s9, $0x2  }
0xb: {  	s30 =	ssub.s32 s26, s10;
	s4 =	sadd.s32 s28, s4;
	s5 =	sadd.s32 s29, s1  }
0xc: {  	s14 =	sadd.s32 $0x400, s7;
	s7 =	smax.u32 s30, $0x1;
	s6 =	sadd.s32 $0x10000, s5  }
0xd: {  	s8 =	sadd.s32 $0x4000, s5;
	s9 =	sadd.s32 $0x8000, s5;
	s10 =	sadd.s32 $0xC000, s5  }
0xe: {  	v0 =	vimm.f32 $0.0e+00;
	v1 =	vimm.f32 $1.000000000e+00;
	s14 =	sadd.s32 s15, s14;
	s15 =	sor.u32 $0x1C01, s31;
	s16 =	sshrl.u32 s5, $0x3  }
.LBB2_1:
0xf: {  	[tilespmem:s3], [sflag:$0x1] =	stream.linear.gather [hbm4b:s4+s3], $0x2800, $0x38;
	[tilespmem:$0x8F80] =	vst v63  }
0x10: {  	_ =	swait.ge [sflag:s11], $0x2800  }
0x11: {  	[sflag:s11] =	ssyncset.done $0x0  }
0x12: {  	s18 =	simm.s32 $0x200;
	s19 =	simm.s32 $0x0;
	[sflag:s11] =	ssyncadd.s32 $0xFFFFD800  }
.LBB2_2:
0x13: {  	p0 =	sne.s32 s18, $0xFE00;
	[tilespmem:s19+$0x2800] =	vst v0;
	s19 =	smov.u32 s18;
	s18 =	sadd.s32 $0x200, s18  }
.Ltmp0:
0x14: {  	(pc) =	sbr.rel @p0 .LBB2_2-.Ltmp0, $2  }
0x15: {  	_ =	sdelay $0x2  }
0x16: {  	s19 =	sshra.s32 s19, $0x2  }
0x17: {  	[tilespmem:s19+$0x2800] =	vst v0  }
0x18: {  	[spmem:s5] =	stream.linear.scatter [tilespmem:s12], [sflag:$0x1], $0x4000, $0x38;
	[tilespmem:$0x8F80] =	vst v63  }
0x19: {  	_ =	swait.ge [sflag:s11], $0x4000  }
0x1a: {  	[sflag:s11] =	ssyncset.done $0x0  }
0x1b: {  	[sflag:s11] =	ssyncadd.s32 $0xFFFFC000  }
0x1c: {  	[spmem:s8] =	stream.linear.scatter [tilespmem:s12], [sflag:$0x1], $0x4000, $0x38;
	[tilespmem:$0x8F80] =	vst v63  }
0x1d: {  	_ =	swait.ge [sflag:s11], $0x4000  }
0x1e: {  	[sflag:s11] =	ssyncset.done $0x0  }
0x1f: {  	[sflag:s11] =	ssyncadd.s32 $0xFFFFC000  }
0x20: {  	[spmem:s9] =	stream.linear.scatter [tilespmem:s12], [sflag:$0x1], $0x4000, $0x38;
	[tilespmem:$0x8F80] =	vst v63  }
0x21: {  	_ =	swait.ge [sflag:s11], $0x4000  }
0x22: {  	[sflag:s11] =	ssyncset.done $0x0  }
0x23: {  	[sflag:s11] =	ssyncadd.s32 $0xFFFFC000  }
0x24: {  	[spmem:s10] =	stream.linear.scatter [tilespmem:s12], [sflag:$0x1], $0x4000, $0x38;
	[tilespmem:$0x8F80] =	vst v63  }
0x25: {  	_ =	swait.ge [sflag:s11], $0x4000  }
0x26: {  	[sflag:s11] =	ssyncset.done $0x0  }
0x27: {  	[sflag:s11] =	ssyncadd.s32 $0xFFFFC000  }
0x28: {  	[spmem:s6] =	stream.linear.scatter [tilespmem:s12], [sflag:$0x1], $0x3C00, $0x38;
	[tilespmem:$0x8F80] =	vst v63  }
0x29: {  	_ =	swait.ge [sflag:s11], $0x3C00  }
0x2a: {  	[sflag:s11] =	ssyncset.done $0x0  }
0x2b: {  	s18 =	simm.s32 $0x200;
	s19 =	simm.s32 $0x0;
	[sflag:s11] =	ssyncadd.s32 $0xFFFFC400  }
.LBB2_4:
0x2c: {  	p0 =	sne.s32 s18, $0xFE00;
	[tilespmem:s19+$0x2800] =	vst v1;
	s19 =	smov.u32 s18;
	s18 =	sadd.s32 $0x200, s18  }
.Ltmp1:
0x2d: {  	(pc) =	sbr.rel @p0 .LBB2_4-.Ltmp1, $2  }
0x2e: {  	_ =	sdelay $0x2  }
0x2f: {  	s19 =	sshra.s32 s19, $0x2  }
0x30: {  	[tilespmem:s19+$0x2800] =	vst v1  }
0x31: {  	s18 =	simm.s32 $0x0;
	[bflag:$0x0] =	sbarrier.arrive $0xFFFF  }
0x32: {  	[spmem:s1] =	stream.indirect.scatter.add.f32 [tilespmem:s12], [sflag:$0x1], $0x10, s18, s13, $0xb8;
	[tilespmem:$0x8F80] =	vst v63  }
0x33: {  	_ =	swait.ge [sflag:s11], $0x800  }
0x34: {  	s18 =	simm.s32 $0x200;
	[sflag:s11] =	ssyncset.done $0x0  }
.LBB2_6:
0x35: {  	s19 =	sshra.s32 s18, $0x2;
	[sflag:s11] =	ssyncadd.s32 $0xFFFFF800;
	p0 =	sne.s32 s18, $0x9E00  }
0x36: {  	[spmem:s1] =	stream.indirect.scatter.add.f32 [tilespmem:s12], [sflag:$0x1], $0x10, s19, s13, $0xb8;
	[tilespmem:$0x8F80] =	vst v63  }
.Ltmp2:
0x37: {  	_ = 	snop;
	(pc) =	sbr.rel @p0 .LBB2_6-.Ltmp2, $4  }
0x38: {  	_ = 	snop  }
0x39: {  	s18 =	sadd.s32 $0x200, s18  }
0x3a: {  	_ =	swait.ge [sflag:s11], $0x800  }
0x3b: {  	[sflag:s11] =	ssyncset.done $0x0  }
0x3c: {  	s17 =	sadd.s32 $0x1, s17  }
0x3d: {  	[sflag:s11] =	ssyncadd.s32 $0xFFFFF800;
	p0 =	sne.s32 s17, s7  }
.Ltmp3:
0x3e: {  	[bflag:$0x0] =	sbarrier.arrive $0xFFFF;
	(pc) =	sbr.rel @p0 .LBB2_1-.Ltmp3, $4  }
0x3f: {  	[hbm:s14], [sflag:s15] =	dma.local [spmem:s16], $0x2780  }
0x40: {  	_ =	swait.ge [sflag:s11], $0x2780  }
0x41: {  	[sflag:s11] =	ssyncset.done $0x0  }
0x42: {  	[sflag:s11] =	ssyncadd.s32 $0xFFFFD880  }
0x43: {  	_ =	sfence.sel $0x180000  }
0x44: {  	[bflag:$0x0] =	sbarrier.arrive $0xFFFF  }
0x45: {  	p0 =	sne.s32 s2, $0x0;
	_ =	strace $0x90000047  }
0x46: {  	s0 =	sadd.s32 @!p0 $0x100000, s0;
	[bflag:$0x2] =	sbarrier.arrive $0xFFFF  }
0x47: {  	[sflag:s0] =	ssyncadd.tile.s32 @!p0 $0x1;
	_ =	shalt  }
.Lfunc_end2:
_tile_overlayer_lowered:
.L_overlay_start_2:
0x48: {  	(tag) =	ssettag $0x2  }
0x49: {  	s0 =	rddreg [dreg:$0x0];
	s2 =	stileid.u32  }
0x4a: {  	s1 =	rddreg [dreg:$0x1];
	p0 =	sne.s32 s2, $0x0  }
0x4b: {  	s3 =	rddreg [dreg:$0x2];
	[bflag:$0x3] =	sbarrier.arrive $0xFFFF;
	s2 =	simm.s32 @!p0 $0x1C01  }
0x4c: {  	[timem:s3], [sflag:s2] =	dma.local @!p0 [hbm:s0], s1  }
0x4d: {  	s0 =	simm.s32 @!p0 $0x1  }
0x4e: {  	_ =	swait.ge @!p0 [sflag:s0], s1  }
0x4f: {  	s1 =	ssub.s32 @!p0 $0x0, s1;
	[sflag:s0] =	ssyncset.done @!p0 $0x0  }
0x50: {  	[sflag:s0] =	ssyncadd.s32 @!p0 s1  }
0x51: {  	[bflag:$0x3] =	sbarrier.arrive $0xFFFF  }
0x52: {  	_ =	shalt  }

</sc_bundles>
